<compile_context>
chip_gen: v7x
topology: tpu7x:2x2x1
jax: 0.10.2.dev20260603
libtpu: 0.0.44.dev20260713+nightly
codegen_flags: <defaults>
</compile_context>

<pallas_src>
import functools

import jax
import jax.numpy as jnp
from jax import lax
from jax.experimental import pallas as pl
from jax.experimental.pallas import tpu as pltpu
from jax.experimental.pallas import tpu_sc as plsc

_B = 16384
_E = 16
_NC = 2
_NS = 16
_NW = _NC * _NS
_BPW = _B // _NW
_CH = 128


def _sc_body(uidx_hbm, iidx_hbm, uemb_hbm, iemb_hbm, ubias_hbm, ibias_hbm,
             part_hbm, ub_out_hbm, ib_out_hbm,
             uidx_v, iidx_v, urows_v, irows_v, ub_v, ib_v, acc_v,
             sem, bsem):
    wid = lax.axis_index("s") * _NC + lax.axis_index("c")
    base = wid * _BPW

    pltpu.sync_copy(uidx_hbm.at[pl.ds(base, _BPW)], uidx_v)
    pltpu.sync_copy(iidx_hbm.at[pl.ds(base, _BPW)], iidx_v)

    for j in range(_BPW // _CH):
        c = pl.ds(j * _CH, _CH)
        pltpu.async_copy(uemb_hbm.at[uidx_v.at[c]], urows_v.at[c], sem).wait()
        pltpu.async_copy(iemb_hbm.at[iidx_v.at[c]], irows_v.at[c], sem).wait()
        pltpu.async_copy(ubias_hbm.at[uidx_v.at[c]], ub_v.at[c], bsem).wait()
        pltpu.async_copy(ibias_hbm.at[iidx_v.at[c]], ib_v.at[c], bsem).wait()

    def fma(i, acc):
        return acc + urows_v[i] * irows_v[i]

    acc = lax.fori_loop(0, _BPW, fma, jnp.zeros((_E,), jnp.float32))
    acc_v[...] = acc
    pltpu.sync_copy(acc_v, part_hbm.at[wid])

    pltpu.sync_copy(ub_v, ub_out_hbm.at[pl.ds(base, _BPW)])
    pltpu.sync_copy(ib_v, ib_out_hbm.at[pl.ds(base, _BPW)])


@jax.jit
def _sc_parts(u_idx, i_idx, user_emb, item_emb, user_bias, item_bias):
    mesh = plsc.VectorSubcoreMesh(core_axis_name="c", subcore_axis_name="s")
    k = functools.partial(
        pl.kernel,
        mesh=mesh,
        out_type=[
            jax.ShapeDtypeStruct((_NW, _E), jnp.float32),
            jax.ShapeDtypeStruct((_B, 1), jnp.float32),
            jax.ShapeDtypeStruct((_B, 1), jnp.float32),
        ],
        scratch_types=[
            pltpu.VMEM((_BPW,), jnp.int32),
            pltpu.VMEM((_BPW,), jnp.int32),
            pltpu.VMEM((_BPW, _E), jnp.float32),
            pltpu.VMEM((_BPW, _E), jnp.float32),
            pltpu.VMEM((_BPW, 1), jnp.float32),
            pltpu.VMEM((_BPW, 1), jnp.float32),
            pltpu.VMEM((_E,), jnp.float32),
            pltpu.SemaphoreType.DMA,
            pltpu.SemaphoreType.DMA,
        ],
        compiler_params=pltpu.CompilerParams(use_tc_tiling_on_sc=False),
    )(_sc_body)
    return k(u_idx, i_idx, user_emb, item_emb, user_bias, item_bias)


def _tc_body(part_ref, ub_ref, ib_ref, out_ref):
    s = jnp.sum(part_ref[...])
    out_ref[...] = ub_ref[...] + ib_ref[...] + s


@jax.jit
def _tc_finish(partials, ub, ib):
    out = pl.pallas_call(
        _tc_body,
        out_shape=jax.ShapeDtypeStruct((128, 128), jnp.float32),
    )(partials, ub.reshape(128, 128), ib.reshape(128, 128))
    return out.reshape(_B, 1)


def kernel(inputs, user_emb, user_bias, item_emb, item_bias):
    u_idx = inputs[:, 0]
    i_idx = inputs[:, 1]
    partials, ub, ib = _sc_parts(
        u_idx, i_idx, user_emb, item_emb, user_bias, item_bias)
    return _tc_finish(partials, ub, ib)

# --- scband reference (transcript-rebuilt; emitter-appended) ---
"""Pipeline reference for scband-factorization-recommender-9354438770981 (READ-ONLY COPY).

The authoritative reference and input builder live on the scoring server;
editing this copy changes nothing except your own understanding.
"""

import jax, jax.numpy as jnp
import numpy as np

NUM_USERS = 1000000
NUM_ITEMS = 1000000
EMBED_DIM = 16
BATCH = 16384


def setup_inputs(seed: int = 0) -> dict:
    key = jax.random.key(seed)
    k0, k1, k2, k3, k4 = jax.random.split(key, 5)
    inputs = jax.random.randint(k0, (BATCH, 2), 0, NUM_USERS, dtype=jnp.int32)
    he_std = float(np.sqrt(2.0 / EMBED_DIM))
    user_emb = jax.random.normal(k1, (NUM_USERS, EMBED_DIM), dtype=jnp.float32) * he_std
    item_emb = jax.random.normal(k2, (NUM_ITEMS, EMBED_DIM), dtype=jnp.float32) * he_std
    # Keras Embedding default initializer is uniform(-0.05, 0.05)
    user_bias = jax.random.uniform(k3, (NUM_USERS, 1), dtype=jnp.float32, minval=-0.05, maxval=0.05)
    item_bias = jax.random.uniform(k4, (NUM_ITEMS, 1), dtype=jnp.float32, minval=-0.05, maxval=0.05)
    return {"inputs": inputs, "user_emb": user_emb, "user_bias": user_bias,
            "item_emb": item_emb, "item_bias": item_bias}


def reference(inputs, user_emb, user_bias, item_emb, item_bias):
    u_idx = inputs[:, 0]
    i_idx = inputs[:, 1]
    user_vector = jnp.take(user_emb, u_idx, axis=0)      # [B, E]
    user_b = jnp.take(user_bias, u_idx, axis=0)          # [B, 1]
    item_vector = jnp.take(item_emb, i_idx, axis=0)      # [B, E]
    item_b = jnp.take(item_bias, i_idx, axis=0)          # [B, 1]
    # tf.tensordot(a, b, axes=2) contracts both axes -> scalar (faithful to original)
    dot_user_item = jnp.tensordot(user_vector, item_vector, axes=2)
    x = dot_user_item + user_b + item_b                   # broadcast scalar -> [B, 1]
    return x

if __name__ == "__main__":
    import jax
    _d = setup_inputs()
    print(jax.jit(kernel)(*tuple(_d.values())))

</pallas_src>

<mosaic_0001>
#map = affine_map<(d0, d1) -> (0)>
#map1 = affine_map<(d0, d1) -> (0, 0)>
module attributes {stable_mosaic.version = 14 : i64} {
  func.func @_sc_body(%arg0: i32, %arg1: i32, %arg2: memref<16384xi32, #tpu.memory_space<hbm>>, %arg3: memref<16384xi32, #tpu.memory_space<hbm>>, %arg4: memref<1000000x16xf32, #tpu.memory_space<hbm>>, %arg5: memref<1000000x16xf32, #tpu.memory_space<hbm>>, %arg6: memref<1000000x1xf32, #tpu.memory_space<hbm>>, %arg7: memref<1000000x1xf32, #tpu.memory_space<hbm>>, %arg8: memref<32x16xf32, #tpu.memory_space<hbm>>, %arg9: memref<16384x1xf32, #tpu.memory_space<hbm>>, %arg10: memref<16384x1xf32, #tpu.memory_space<hbm>>, %arg11: memref<512xi32, #tpu.memory_space<vmem>>, %arg12: memref<512xi32, #tpu.memory_space<vmem>>, %arg13: memref<512x16xf32, #tpu.memory_space<vmem>>, %arg14: memref<512x16xf32, #tpu.memory_space<vmem>>, %arg15: memref<512x1xf32, #tpu.memory_space<vmem>>, %arg16: memref<512x1xf32, #tpu.memory_space<vmem>>, %arg17: memref<16xf32, #tpu.memory_space<vmem>>, %arg18: memref<!tpu.dma_semaphore, #tpu.memory_space<semaphore_mem>>, %arg19: memref<!tpu.dma_semaphore, #tpu.memory_space<semaphore_mem>>) attributes {dimension_semantics = [#tpu.dimension_semantics<core_parallel>, #tpu.dimension_semantics<subcore_parallel>], iteration_bounds = array<i64: 2, 16>, scalar_prefetch = 0 : i64, scratch_operands = 9 : i64, tpu.core_type = #tpu.core_type<sc_vector_subcore>, window_params = [{transform_indices = #map}, {transform_indices = #map}, {transform_indices = #map1}, {transform_indices = #map1}, {transform_indices = #map1}, {transform_indices = #map1}, {transform_indices = #map1}, {transform_indices = #map1}, {transform_indices = #map1}]} {
    %mul3A = arith.constant 2 : i32
    %mul3A_0 = arith.muli %arg1, %mul3A : i32
    %add3A = arith.addi %mul3A_0, %arg0 : i32
    %mul3A_1 = arith.constant 512 : i32
    %mul3A_2 = arith.muli %add3A, %mul3A_1 : i32
    "tpu.region"() ({
      %run_scoped3A = tpu.sem_alloc : memref<!tpu.dma_semaphore, #tpu.memory_space<semaphore_mem>>
      %dma_start3A_266 = tpu.memref_slice %arg2[%mul3A_2] : memref<16384xi32, #tpu.memory_space<hbm>> -> memref<512xi32, #tpu.memory_space<hbm>>
      %dma_start3A_267 = tpu.memref_slice %arg2[%mul3A_2] : memref<16384xi32, #tpu.memory_space<hbm>> -> memref<512xi32, #tpu.memory_space<hbm>>
      tpu.enqueue_dma source(%dma_start3A_267 : memref<512xi32, #tpu.memory_space<hbm>>) target(%arg11 : memref<512xi32, #tpu.memory_space<vmem>>) target_semaphore(%run_scoped3A : memref<!tpu.dma_semaphore, #tpu.memory_space<semaphore_mem>>)
      %dma_wait3A_268 = tpu.memref_slice %arg2[%mul3A_2] : memref<16384xi32, #tpu.memory_space<hbm>> -> memref<512xi32, #tpu.memory_space<hbm>>
      %dma_wait3A_269 = tpu.memref_slice %arg2[%mul3A_2] : memref<16384xi32, #tpu.memory_space<hbm>> -> memref<512xi32, #tpu.memory_space<hbm>>
      tpu.wait_dma2 semaphore(%run_scoped3A : memref<!tpu.dma_semaphore, #tpu.memory_space<semaphore_mem>>) src(%dma_wait3A_269 : memref<512xi32, #tpu.memory_space<hbm>>) dst(%arg11 : memref<512xi32, #tpu.memory_space<vmem>>)
      tpu.yield
    }) : () -> ()
    "tpu.region"() ({
      %run_scoped3A = tpu.sem_alloc : memref<!tpu.dma_semaphore, #tpu.memory_space<semaphore_mem>>
      %dma_start3A_266 = tpu.memref_slice %arg3[%mul3A_2] : memref<16384xi32, #tpu.memory_space<hbm>> -> memref<512xi32, #tpu.memory_space<hbm>>
      %dma_start3A_267 = tpu.memref_slice %arg3[%mul3A_2] : memref<16384xi32, #tpu.memory_space<hbm>> -> memref<512xi32, #tpu.memory_space<hbm>>
      tpu.enqueue_dma source(%dma_start3A_267 : memref<512xi32, #tpu.memory_space<hbm>>) target(%arg12 : memref<512xi32, #tpu.memory_space<vmem>>) target_semaphore(%run_scoped3A : memref<!tpu.dma_semaphore, #tpu.memory_space<semaphore_mem>>)
      %dma_wait3A_268 = tpu.memref_slice %arg3[%mul3A_2] : memref<16384xi32, #tpu.memory_space<hbm>> -> memref<512xi32, #tpu.memory_space<hbm>>
      %dma_wait3A_269 = tpu.memref_slice %arg3[%mul3A_2] : memref<16384xi32, #tpu.memory_space<hbm>> -> memref<512xi32, #tpu.memory_space<hbm>>
      tpu.wait_dma2 semaphore(%run_scoped3A : memref<!tpu.dma_semaphore, #tpu.memory_space<semaphore_mem>>) src(%dma_wait3A_269 : memref<512xi32, #tpu.memory_space<hbm>>) dst(%arg12 : memref<512xi32, #tpu.memory_space<vmem>>)
      tpu.yield
    }) : () -> ()
    %dma_start3A = arith.constant 0 : i32
    %dma_start3A_3 = arith.constant 0 : i32
    %dma_start3A_4 = tpu.memref_slice %arg13[%dma_start3A, %dma_start3A_3] : memref<512x16xf32, #tpu.memory_space<vmem>> -> memref<128x16xf32, #tpu.memory_space<vmem>>
    %dma_start3A_5 = arith.constant 0 : i32
    %dma_start3A_6 = tpu.memref_slice %arg11[%dma_start3A_5] : memref<512xi32, #tpu.memory_space<vmem>> -> memref<128xi32, #tpu.memory_space<vmem>>
    %dma_start3A_7 = arith.constant 0 : i32
    %dma_start3A_8 = arith.constant 0 : i32
    %dma_start3A_9 = tpu.memref_slice %arg4[%dma_start3A_7, %dma_start3A_8] : memref<1000000x16xf32, #tpu.memory_space<hbm>> -> memref<1000000x16xf32, #tpu.memory_space<hbm>>
    tpu.enqueue_indirect_dma source(%dma_start3A_9 : memref<1000000x16xf32, #tpu.memory_space<hbm>>) target(%dma_start3A_4 : memref<128x16xf32, #tpu.memory_space<vmem>>) offsets(%dma_start3A_6 : memref<128xi32, #tpu.memory_space<vmem>>) semaphore(%arg18 : memref<!tpu.dma_semaphore, #tpu.memory_space<semaphore_mem>>)
    %dma_wait3A = arith.constant 0 : i32
    %dma_wait3A_10 = arith.constant 0 : i32
    %dma_wait3A_11 = tpu.memref_slice %arg13[%dma_wait3A, %dma_wait3A_10] : memref<512x16xf32, #tpu.memory_space<vmem>> -> memref<128x16xf32, #tpu.memory_space<vmem>>
    %dma_wait3A_12 = arith.constant 0 : i32
    %dma_wait3A_13 = tpu.memref_slice %arg11[%dma_wait3A_12] : memref<512xi32, #tpu.memory_space<vmem>> -> memref<128xi32, #tpu.memory_space<vmem>>
    %dma_wait3A_14 = arith.constant 0 : i32
    %dma_wait3A_15 = arith.constant 0 : i32
    %dma_wait3A_16 = tpu.memref_slice %arg4[%dma_wait3A_14, %dma_wait3A_15] : memref<1000000x16xf32, #tpu.memory_space<hbm>> -> memref<1000000x16xf32, #tpu.memory_space<hbm>>
    tpu.wait_indirect_dma semaphore(%arg18 : memref<!tpu.dma_semaphore, #tpu.memory_space<semaphore_mem>>) src(%dma_wait3A_16 : memref<1000000x16xf32, #tpu.memory_space<hbm>>) dst(%dma_wait3A_11 : memref<128x16xf32, #tpu.memory_space<vmem>>)
    %dma_start3A_17 = arith.constant 0 : i32
    %dma_start3A_18 = arith.constant 0 : i32
    %dma_start3A_19 = tpu.memref_slice %arg14[%dma_start3A_17, %dma_start3A_18] : memref<512x16xf32, #tpu.memory_space<vmem>> -> memref<128x16xf32, #tpu.memory_space<vmem>>
    %dma_start3A_20 = arith.constant 0 : i32
    %dma_start3A_21 = tpu.memref_slice %arg12[%dma_start3A_20] : memref<512xi32, #tpu.memory_space<vmem>> -> memref<128xi32, #tpu.memory_space<vmem>>
    %dma_start3A_22 = arith.constant 0 : i32
    %dma_start3A_23 = arith.constant 0 : i32
    %dma_start3A_24 = tpu.memref_slice %arg5[%dma_start3A_22, %dma_start3A_23] : memref<1000000x16xf32, #tpu.memory_space<hbm>> -> memref<1000000x16xf32, #tpu.memory_space<hbm>>
    tpu.enqueue_indirect_dma source(%dma_start3A_24 : memref<1000000x16xf32, #tpu.memory_space<hbm>>) target(%dma_start3A_19 : memref<128x16xf32, #tpu.memory_space<vmem>>) offsets(%dma_start3A_21 : memref<128xi32, #tpu.memory_space<vmem>>) semaphore(%arg18 : memref<!tpu.dma_semaphore, #tpu.memory_space<semaphore_mem>>)
    %dma_wait3A_25 = arith.constant 0 : i32
    %dma_wait3A_26 = arith.constant 0 : i32
    %dma_wait3A_27 = tpu.memref_slice %arg14[%dma_wait3A_25, %dma_wait3A_26] : memref<512x16xf32, #tpu.memory_space<vmem>> -> memref<128x16xf32, #tpu.memory_space<vmem>>
    %dma_wait3A_28 = arith.constant 0 : i32
    %dma_wait3A_29 = tpu.memref_slice %arg12[%dma_wait3A_28] : memref<512xi32, #tpu.memory_space<vmem>> -> memref<128xi32, #tpu.memory_space<vmem>>
    %dma_wait3A_30 = arith.constant 0 : i32
    %dma_wait3A_31 = arith.constant 0 : i32
    %dma_wait3A_32 = tpu.memref_slice %arg5[%dma_wait3A_30, %dma_wait3A_31] : memref<1000000x16xf32, #tpu.memory_space<hbm>> -> memref<1000000x16xf32, #tpu.memory_space<hbm>>
    tpu.wait_indirect_dma semaphore(%arg18 : memref<!tpu.dma_semaphore, #tpu.memory_space<semaphore_mem>>) src(%dma_wait3A_32 : memref<1000000x16xf32, #tpu.memory_space<hbm>>) dst(%dma_wait3A_27 : memref<128x16xf32, #tpu.memory_space<vmem>>)
    %dma_start3A_33 = arith.constant 0 : i32
    %dma_start3A_34 = arith.constant 0 : i32
    %dma_start3A_35 = tpu.memref_slice %arg15[%dma_start3A_33, %dma_start3A_34] : memref<512x1xf32, #tpu.memory_space<vmem>> -> memref<128x1xf32, #tpu.memory_space<vmem>>
    %dma_start3A_36 = arith.constant 0 : i32
    %dma_start3A_37 = tpu.memref_slice %arg11[%dma_start3A_36] : memref<512xi32, #tpu.memory_space<vmem>> -> memref<128xi32, #tpu.memory_space<vmem>>
    %dma_start3A_38 = arith.constant 0 : i32
    %dma_start3A_39 = arith.constant 0 : i32
    %dma_start3A_40 = tpu.memref_slice %arg6[%dma_start3A_38, %dma_start3A_39] : memref<1000000x1xf32, #tpu.memory_space<hbm>> -> memref<1000000x1xf32, #tpu.memory_space<hbm>>
    tpu.enqueue_indirect_dma source(%dma_start3A_40 : memref<1000000x1xf32, #tpu.memory_space<hbm>>) target(%dma_start3A_35 : memref<128x1xf32, #tpu.memory_space<vmem>>) offsets(%dma_start3A_37 : memref<128xi32, #tpu.memory_space<vmem>>) semaphore(%arg19 : memref<!tpu.dma_semaphore, #tpu.memory_space<semaphore_mem>>)
    %dma_wait3A_41 = arith.constant 0 : i32
    %dma_wait3A_42 = arith.constant 0 : i32
    %dma_wait3A_43 = tpu.memref_slice %arg15[%dma_wait3A_41, %dma_wait3A_42] : memref<512x1xf32, #tpu.memory_space<vmem>> -> memref<128x1xf32, #tpu.memory_space<vmem>>
    %dma_wait3A_44 = arith.constant 0 : i32
    %dma_wait3A_45 = tpu.memref_slice %arg11[%dma_wait3A_44] : memref<512xi32, #tpu.memory_space<vmem>> -> memref<128xi32, #tpu.memory_space<vmem>>
    %dma_wait3A_46 = arith.constant 0 : i32
    %dma_wait3A_47 = arith.constant 0 : i32
    %dma_wait3A_48 = tpu.memref_slice %arg6[%dma_wait3A_46, %dma_wait3A_47] : memref<1000000x1xf32, #tpu.memory_space<hbm>> -> memref<1000000x1xf32, #tpu.memory_space<hbm>>
    tpu.wait_indirect_dma semaphore(%arg19 : memref<!tpu.dma_semaphore, #tpu.memory_space<semaphore_mem>>) src(%dma_wait3A_48 : memref<1000000x1xf32, #tpu.memory_space<hbm>>) dst(%dma_wait3A_43 : memref<128x1xf32, #tpu.memory_space<vmem>>)
    %dma_start3A_49 = arith.constant 0 : i32
    %dma_start3A_50 = arith.constant 0 : i32
    %dma_start3A_51 = tpu.memref_slice %arg16[%dma_start3A_49, %dma_start3A_50] : memref<512x1xf32, #tpu.memory_space<vmem>> -> memref<128x1xf32, #tpu.memory_space<vmem>>
    %dma_start3A_52 = arith.constant 0 : i32
    %dma_start3A_53 = tpu.memref_slice %arg12[%dma_start3A_52] : memref<512xi32, #tpu.memory_space<vmem>> -> memref<128xi32, #tpu.memory_space<vmem>>
    %dma_start3A_54 = arith.constant 0 : i32
    %dma_start3A_55 = arith.constant 0 : i32
    %dma_start3A_56 = tpu.memref_slice %arg7[%dma_start3A_54, %dma_start3A_55] : memref<1000000x1xf32, #tpu.memory_space<hbm>> -> memref<1000000x1xf32, #tpu.memory_space<hbm>>
    tpu.enqueue_indirect_dma source(%dma_start3A_56 : memref<1000000x1xf32, #tpu.memory_space<hbm>>) target(%dma_start3A_51 : memref<128x1xf32, #tpu.memory_space<vmem>>) offsets(%dma_start3A_53 : memref<128xi32, #tpu.memory_space<vmem>>) semaphore(%arg19 : memref<!tpu.dma_semaphore, #tpu.memory_space<semaphore_mem>>)
    %dma_wait3A_57 = arith.constant 0 : i32
    %dma_wait3A_58 = arith.constant 0 : i32
    %dma_wait3A_59 = tpu.memref_slice %arg16[%dma_wait3A_57, %dma_wait3A_58] : memref<512x1xf32, #tpu.memory_space<vmem>> -> memref<128x1xf32, #tpu.memory_space<vmem>>
    %dma_wait3A_60 = arith.constant 0 : i32
    %dma_wait3A_61 = tpu.memref_slice %arg12[%dma_wait3A_60] : memref<512xi32, #tpu.memory_space<vmem>> -> memref<128xi32, #tpu.memory_space<vmem>>
    %dma_wait3A_62 = arith.constant 0 : i32
    %dma_wait3A_63 = arith.constant 0 : i32
    %dma_wait3A_64 = tpu.memref_slice %arg7[%dma_wait3A_62, %dma_wait3A_63] : memref<1000000x1xf32, #tpu.memory_space<hbm>> -> memref<1000000x1xf32, #tpu.memory_space<hbm>>
    tpu.wait_indirect_dma semaphore(%arg19 : memref<!tpu.dma_semaphore, #tpu.memory_space<semaphore_mem>>) src(%dma_wait3A_64 : memref<1000000x1xf32, #tpu.memory_space<hbm>>) dst(%dma_wait3A_59 : memref<128x1xf32, #tpu.memory_space<vmem>>)
    %dma_start3A_65 = arith.constant 128 : i32
    %dma_start3A_66 = arith.constant 0 : i32
    %dma_start3A_67 = tpu.memref_slice %arg13[%dma_start3A_65, %dma_start3A_66] : memref<512x16xf32, #tpu.memory_space<vmem>> -> memref<128x16xf32, #tpu.memory_space<vmem>>
    %dma_start3A_68 = arith.constant 128 : i32
    %dma_start3A_69 = tpu.memref_slice %arg11[%dma_start3A_68] : memref<512xi32, #tpu.memory_space<vmem>> -> memref<128xi32, #tpu.memory_space<vmem>>
    %dma_start3A_70 = arith.constant 0 : i32
    %dma_start3A_71 = arith.constant 0 : i32
    %dma_start3A_72 = tpu.memref_slice %arg4[%dma_start3A_70, %dma_start3A_71] : memref<1000000x16xf32, #tpu.memory_space<hbm>> -> memref<1000000x16xf32, #tpu.memory_space<hbm>>
    tpu.enqueue_indirect_dma source(%dma_start3A_72 : memref<1000000x16xf32, #tpu.memory_space<hbm>>) target(%dma_start3A_67 : memref<128x16xf32, #tpu.memory_space<vmem>>) offsets(%dma_start3A_69 : memref<128xi32, #tpu.memory_space<vmem>>) semaphore(%arg18 : memref<!tpu.dma_semaphore, #tpu.memory_space<semaphore_mem>>)
    %dma_wait3A_73 = arith.constant 128 : i32
    %dma_wait3A_74 = arith.constant 0 : i32
    %dma_wait3A_75 = tpu.memref_slice %arg13[%dma_wait3A_73, %dma_wait3A_74] : memref<512x16xf32, #tpu.memory_space<vmem>> -> memref<128x16xf32, #tpu.memory_space<vmem>>
    %dma_wait3A_76 = arith.constant 128 : i32
    %dma_wait3A_77 = tpu.memref_slice %arg11[%dma_wait3A_76] : memref<512xi32, #tpu.memory_space<vmem>> -> memref<128xi32, #tpu.memory_space<vmem>>
    %dma_wait3A_78 = arith.constant 0 : i32
    %dma_wait3A_79 = arith.constant 0 : i32
    %dma_wait3A_80 = tpu.memref_slice %arg4[%dma_wait3A_78, %dma_wait3A_79] : memref<1000000x16xf32, #tpu.memory_space<hbm>> -> memref<1000000x16xf32, #tpu.memory_space<hbm>>
    tpu.wait_indirect_dma semaphore(%arg18 : memref<!tpu.dma_semaphore, #tpu.memory_space<semaphore_mem>>) src(%dma_wait3A_80 : memref<1000000x16xf32, #tpu.memory_space<hbm>>) dst(%dma_wait3A_75 : memref<128x16xf32, #tpu.memory_space<vmem>>)
    %dma_start3A_81 = arith.constant 128 : i32
    %dma_start3A_82 = arith.constant 0 : i32
    %dma_start3A_83 = tpu.memref_slice %arg14[%dma_start3A_81, %dma_start3A_82] : memref<512x16xf32, #tpu.memory_space<vmem>> -> memref<128x16xf32, #tpu.memory_space<vmem>>
    %dma_start3A_84 = arith.constant 128 : i32
    %dma_start3A_85 = tpu.memref_slice %arg12[%dma_start3A_84] : memref<512xi32, #tpu.memory_space<vmem>> -> memref<128xi32, #tpu.memory_space<vmem>>
    %dma_start3A_86 = arith.constant 0 : i32
    %dma_start3A_87 = arith.constant 0 : i32
    %dma_start3A_88 = tpu.memref_slice %arg5[%dma_start3A_86, %dma_start3A_87] : memref<1000000x16xf32, #tpu.memory_space<hbm>> -> memref<1000000x16xf32, #tpu.memory_space<hbm>>
    tpu.enqueue_indirect_dma source(%dma_start3A_88 : memref<1000000x16xf32, #tpu.memory_space<hbm>>) target(%dma_start3A_83 : memref<128x16xf32, #tpu.memory_space<vmem>>) offsets(%dma_start3A_85 : memref<128xi32, #tpu.memory_space<vmem>>) semaphore(%arg18 : memref<!tpu.dma_semaphore, #tpu.memory_space<semaphore_mem>>)
    %dma_wait3A_89 = arith.constant 128 : i32
    %dma_wait3A_90 = arith.constant 0 : i32
    %dma_wait3A_91 = tpu.memref_slice %arg14[%dma_wait3A_89, %dma_wait3A_90] : memref<512x16xf32, #tpu.memory_space<vmem>> -> memref<128x16xf32, #tpu.memory_space<vmem>>
    %dma_wait3A_92 = arith.constant 128 : i32
    %dma_wait3A_93 = tpu.memref_slice %arg12[%dma_wait3A_92] : memref<512xi32, #tpu.memory_space<vmem>> -> memref<128xi32, #tpu.memory_space<vmem>>
    %dma_wait3A_94 = arith.constant 0 : i32
    %dma_wait3A_95 = arith.constant 0 : i32
    %dma_wait3A_96 = tpu.memref_slice %arg5[%dma_wait3A_94, %dma_wait3A_95] : memref<1000000x16xf32, #tpu.memory_space<hbm>> -> memref<1000000x16xf32, #tpu.memory_space<hbm>>
    tpu.wait_indirect_dma semaphore(%arg18 : memref<!tpu.dma_semaphore, #tpu.memory_space<semaphore_mem>>) src(%dma_wait3A_96 : memref<1000000x16xf32, #tpu.memory_space<hbm>>) dst(%dma_wait3A_91 : memref<128x16xf32, #tpu.memory_space<vmem>>)
    %dma_start3A_97 = arith.constant 128 : i32
    %dma_start3A_98 = arith.constant 0 : i32
    %dma_start3A_99 = tpu.memref_slice %arg15[%dma_start3A_97, %dma_start3A_98] : memref<512x1xf32, #tpu.memory_space<vmem>> -> memref<128x1xf32, #tpu.memory_space<vmem>>
    %dma_start3A_100 = arith.constant 128 : i32
    %dma_start3A_101 = tpu.memref_slice %arg11[%dma_start3A_100] : memref<512xi32, #tpu.memory_space<vmem>> -> memref<128xi32, #tpu.memory_space<vmem>>
    %dma_start3A_102 = arith.constant 0 : i32
    %dma_start3A_103 = arith.constant 0 : i32
    %dma_start3A_104 = tpu.memref_slice %arg6[%dma_start3A_102, %dma_start3A_103] : memref<1000000x1xf32, #tpu.memory_space<hbm>> -> memref<1000000x1xf32, #tpu.memory_space<hbm>>
    tpu.enqueue_indirect_dma source(%dma_start3A_104 : memref<1000000x1xf32, #tpu.memory_space<hbm>>) target(%dma_start3A_99 : memref<128x1xf32, #tpu.memory_space<vmem>>) offsets(%dma_start3A_101 : memref<128xi32, #tpu.memory_space<vmem>>) semaphore(%arg19 : memref<!tpu.dma_semaphore, #tpu.memory_space<semaphore_mem>>)
    %dma_wait3A_105 = arith.constant 128 : i32
    %dma_wait3A_106 = arith.constant 0 : i32
    %dma_wait3A_107 = tpu.memref_slice %arg15[%dma_wait3A_105, %dma_wait3A_106] : memref<512x1xf32, #tpu.memory_space<vmem>> -> memref<128x1xf32, #tpu.memory_space<vmem>>
    %dma_wait3A_108 = arith.constant 128 : i32
    %dma_wait3A_109 = tpu.memref_slice %arg11[%dma_wait3A_108] : memref<512xi32, #tpu.memory_space<vmem>> -> memref<128xi32, #tpu.memory_space<vmem>>
    %dma_wait3A_110 = arith.constant 0 : i32
    %dma_wait3A_111 = arith.constant 0 : i32
    %dma_wait3A_112 = tpu.memref_slice %arg6[%dma_wait3A_110, %dma_wait3A_111] : memref<1000000x1xf32, #tpu.memory_space<hbm>> -> memref<1000000x1xf32, #tpu.memory_space<hbm>>
    tpu.wait_indirect_dma semaphore(%arg19 : memref<!tpu.dma_semaphore, #tpu.memory_space<semaphore_mem>>) src(%dma_wait3A_112 : memref<1000000x1xf32, #tpu.memory_space<hbm>>) dst(%dma_wait3A_107 : memref<128x1xf32, #tpu.memory_space<vmem>>)
    %dma_start3A_113 = arith.constant 128 : i32
    %dma_start3A_114 = arith.constant 0 : i32
    %dma_start3A_115 = tpu.memref_slice %arg16[%dma_start3A_113, %dma_start3A_114] : memref<512x1xf32, #tpu.memory_space<vmem>> -> memref<128x1xf32, #tpu.memory_space<vmem>>
    %dma_start3A_116 = arith.constant 128 : i32
    %dma_start3A_117 = tpu.memref_slice %arg12[%dma_start3A_116] : memref<512xi32, #tpu.memory_space<vmem>> -> memref<128xi32, #tpu.memory_space<vmem>>
    %dma_start3A_118 = arith.constant 0 : i32
    %dma_start3A_119 = arith.constant 0 : i32
    %dma_start3A_120 = tpu.memref_slice %arg7[%dma_start3A_118, %dma_start3A_119] : memref<1000000x1xf32, #tpu.memory_space<hbm>> -> memref<1000000x1xf32, #tpu.memory_space<hbm>>
    tpu.enqueue_indirect_dma source(%dma_start3A_120 : memref<1000000x1xf32, #tpu.memory_space<hbm>>) target(%dma_start3A_115 : memref<128x1xf32, #tpu.memory_space<vmem>>) offsets(%dma_start3A_117 : memref<128xi32, #tpu.memory_space<vmem>>) semaphore(%arg19 : memref<!tpu.dma_semaphore, #tpu.memory_space<semaphore_mem>>)
    %dma_wait3A_121 = arith.constant 128 : i32
    %dma_wait3A_122 = arith.constant 0 : i32
    %dma_wait3A_123 = tpu.memref_slice %arg16[%dma_wait3A_121, %dma_wait3A_122] : memref<512x1xf32, #tpu.memory_space<vmem>> -> memref<128x1xf32, #tpu.memory_space<vmem>>
    %dma_wait3A_124 = arith.constant 128 : i32
    %dma_wait3A_125 = tpu.memref_slice %arg12[%dma_wait3A_124] : memref<512xi32, #tpu.memory_space<vmem>> -> memref<128xi32, #tpu.memory_space<vmem>>
    %dma_wait3A_126 = arith.constant 0 : i32
    %dma_wait3A_127 = arith.constant 0 : i32
    %dma_wait3A_128 = tpu.memref_slice %arg7[%dma_wait3A_126, %dma_wait3A_127] : memref<1000000x1xf32, #tpu.memory_space<hbm>> -> memref<1000000x1xf32, #tpu.memory_space<hbm>>
    tpu.wait_indirect_dma semaphore(%arg19 : memref<!tpu.dma_semaphore, #tpu.memory_space<semaphore_mem>>) src(%dma_wait3A_128 : memref<1000000x1xf32, #tpu.memory_space<hbm>>) dst(%dma_wait3A_123 : memref<128x1xf32, #tpu.memory_space<vmem>>)
    %dma_start3A_129 = arith.constant 256 : i32
    %dma_start3A_130 = arith.constant 0 : i32
    %dma_start3A_131 = tpu.memref_slice %arg13[%dma_start3A_129, %dma_start3A_130] : memref<512x16xf32, #tpu.memory_space<vmem>> -> memref<128x16xf32, #tpu.memory_space<vmem>>
    %dma_start3A_132 = arith.constant 256 : i32
    %dma_start3A_133 = tpu.memref_slice %arg11[%dma_start3A_132] : memref<512xi32, #tpu.memory_space<vmem>> -> memref<128xi32, #tpu.memory_space<vmem>>
    %dma_start3A_134 = arith.constant 0 : i32
    %dma_start3A_135 = arith.constant 0 : i32
    %dma_start3A_136 = tpu.memref_slice %arg4[%dma_start3A_134, %dma_start3A_135] : memref<1000000x16xf32, #tpu.memory_space<hbm>> -> memref<1000000x16xf32, #tpu.memory_space<hbm>>
    tpu.enqueue_indirect_dma source(%dma_start3A_136 : memref<1000000x16xf32, #tpu.memory_space<hbm>>) target(%dma_start3A_131 : memref<128x16xf32, #tpu.memory_space<vmem>>) offsets(%dma_start3A_133 : memref<128xi32, #tpu.memory_space<vmem>>) semaphore(%arg18 : memref<!tpu.dma_semaphore, #tpu.memory_space<semaphore_mem>>)
    %dma_wait3A_137 = arith.constant 256 : i32
    %dma_wait3A_138 = arith.constant 0 : i32
    %dma_wait3A_139 = tpu.memref_slice %arg13[%dma_wait3A_137, %dma_wait3A_138] : memref<512x16xf32, #tpu.memory_space<vmem>> -> memref<128x16xf32, #tpu.memory_space<vmem>>
    %dma_wait3A_140 = arith.constant 256 : i32
    %dma_wait3A_141 = tpu.memref_slice %arg11[%dma_wait3A_140] : memref<512xi32, #tpu.memory_space<vmem>> -> memref<128xi32, #tpu.memory_space<vmem>>
    %dma_wait3A_142 = arith.constant 0 : i32
    %dma_wait3A_143 = arith.constant 0 : i32
    %dma_wait3A_144 = tpu.memref_slice %arg4[%dma_wait3A_142, %dma_wait3A_143] : memref<1000000x16xf32, #tpu.memory_space<hbm>> -> memref<1000000x16xf32, #tpu.memory_space<hbm>>
    tpu.wait_indirect_dma semaphore(%arg18 : memref<!tpu.dma_semaphore, #tpu.memory_space<semaphore_mem>>) src(%dma_wait3A_144 : memref<1000000x16xf32, #tpu.memory_space<hbm>>) dst(%dma_wait3A_139 : memref<128x16xf32, #tpu.memory_space<vmem>>)
    %dma_start3A_145 = arith.constant 256 : i32
    %dma_start3A_146 = arith.constant 0 : i32
    %dma_start3A_147 = tpu.memref_slice %arg14[%dma_start3A_145, %dma_start3A_146] : memref<512x16xf32, #tpu.memory_space<vmem>> -> memref<128x16xf32, #tpu.memory_space<vmem>>
    %dma_start3A_148 = arith.constant 256 : i32
    %dma_start3A_149 = tpu.memref_slice %arg12[%dma_start3A_148] : memref<512xi32, #tpu.memory_space<vmem>> -> memref<128xi32, #tpu.memory_space<vmem>>
    %dma_start3A_150 = arith.constant 0 : i32
    %dma_start3A_151 = arith.constant 0 : i32
    %dma_start3A_152 = tpu.memref_slice %arg5[%dma_start3A_150, %dma_start3A_151] : memref<1000000x16xf32, #tpu.memory_space<hbm>> -> memref<1000000x16xf32, #tpu.memory_space<hbm>>
    tpu.enqueue_indirect_dma source(%dma_start3A_152 : memref<1000000x16xf32, #tpu.memory_space<hbm>>) target(%dma_start3A_147 : memref<128x16xf32, #tpu.memory_space<vmem>>) offsets(%dma_start3A_149 : memref<128xi32, #tpu.memory_space<vmem>>) semaphore(%arg18 : memref<!tpu.dma_semaphore, #tpu.memory_space<semaphore_mem>>)
    %dma_wait3A_153 = arith.constant 256 : i32
    %dma_wait3A_154 = arith.constant 0 : i32
    %dma_wait3A_155 = tpu.memref_slice %arg14[%dma_wait3A_153, %dma_wait3A_154] : memref<512x16xf32, #tpu.memory_space<vmem>> -> memref<128x16xf32, #tpu.memory_space<vmem>>
    %dma_wait3A_156 = arith.constant 256 : i32
    %dma_wait3A_157 = tpu.memref_slice %arg12[%dma_wait3A_156] : memref<512xi32, #tpu.memory_space<vmem>> -> memref<128xi32, #tpu.memory_space<vmem>>
    %dma_wait3A_158 = arith.constant 0 : i32
    %dma_wait3A_159 = arith.constant 0 : i32
    %dma_wait3A_160 = tpu.memref_slice %arg5[%dma_wait3A_158, %dma_wait3A_159] : memref<1000000x16xf32, #tpu.memory_space<hbm>> -> memref<1000000x16xf32, #tpu.memory_space<hbm>>
    tpu.wait_indirect_dma semaphore(%arg18 : memref<!tpu.dma_semaphore, #tpu.memory_space<semaphore_mem>>) src(%dma_wait3A_160 : memref<1000000x16xf32, #tpu.memory_space<hbm>>) dst(%dma_wait3A_155 : memref<128x16xf32, #tpu.memory_space<vmem>>)
    %dma_start3A_161 = arith.constant 256 : i32
    %dma_start3A_162 = arith.constant 0 : i32
    %dma_start3A_163 = tpu.memref_slice %arg15[%dma_start3A_161, %dma_start3A_162] : memref<512x1xf32, #tpu.memory_space<vmem>> -> memref<128x1xf32, #tpu.memory_space<vmem>>
    %dma_start3A_164 = arith.constant 256 : i32
    %dma_start3A_165 = tpu.memref_slice %arg11[%dma_start3A_164] : memref<512xi32, #tpu.memory_space<vmem>> -> memref<128xi32, #tpu.memory_space<vmem>>
    %dma_start3A_166 = arith.constant 0 : i32
    %dma_start3A_167 = arith.constant 0 : i32
    %dma_start3A_168 = tpu.memref_slice %arg6[%dma_start3A_166, %dma_start3A_167] : memref<1000000x1xf32, #tpu.memory_space<hbm>> -> memref<1000000x1xf32, #tpu.memory_space<hbm>>
    tpu.enqueue_indirect_dma source(%dma_start3A_168 : memref<1000000x1xf32, #tpu.memory_space<hbm>>) target(%dma_start3A_163 : memref<128x1xf32, #tpu.memory_space<vmem>>) offsets(%dma_start3A_165 : memref<128xi32, #tpu.memory_space<vmem>>) semaphore(%arg19 : memref<!tpu.dma_semaphore, #tpu.memory_space<semaphore_mem>>)
    %dma_wait3A_169 = arith.constant 256 : i32
    %dma_wait3A_170 = arith.constant 0 : i32
    %dma_wait3A_171 = tpu.memref_slice %arg15[%dma_wait3A_169, %dma_wait3A_170] : memref<512x1xf32, #tpu.memory_space<vmem>> -> memref<128x1xf32, #tpu.memory_space<vmem>>
    %dma_wait3A_172 = arith.constant 256 : i32
    %dma_wait3A_173 = tpu.memref_slice %arg11[%dma_wait3A_172] : memref<512xi32, #tpu.memory_space<vmem>> -> memref<128xi32, #tpu.memory_space<vmem>>
    %dma_wait3A_174 = arith.constant 0 : i32
    %dma_wait3A_175 = arith.constant 0 : i32
    %dma_wait3A_176 = tpu.memref_slice %arg6[%dma_wait3A_174, %dma_wait3A_175] : memref<1000000x1xf32, #tpu.memory_space<hbm>> -> memref<1000000x1xf32, #tpu.memory_space<hbm>>
    tpu.wait_indirect_dma semaphore(%arg19 : memref<!tpu.dma_semaphore, #tpu.memory_space<semaphore_mem>>) src(%dma_wait3A_176 : memref<1000000x1xf32, #tpu.memory_space<hbm>>) dst(%dma_wait3A_171 : memref<128x1xf32, #tpu.memory_space<vmem>>)
    %dma_start3A_177 = arith.constant 256 : i32
    %dma_start3A_178 = arith.constant 0 : i32
    %dma_start3A_179 = tpu.memref_slice %arg16[%dma_start3A_177, %dma_start3A_178] : memref<512x1xf32, #tpu.memory_space<vmem>> -> memref<128x1xf32, #tpu.memory_space<vmem>>
    %dma_start3A_180 = arith.constant 256 : i32
    %dma_start3A_181 = tpu.memref_slice %arg12[%dma_start3A_180] : memref<512xi32, #tpu.memory_space<vmem>> -> memref<128xi32, #tpu.memory_space<vmem>>
    %dma_start3A_182 = arith.constant 0 : i32
    %dma_start3A_183 = arith.constant 0 : i32
    %dma_start3A_184 = tpu.memref_slice %arg7[%dma_start3A_182, %dma_start3A_183] : memref<1000000x1xf32, #tpu.memory_space<hbm>> -> memref<1000000x1xf32, #tpu.memory_space<hbm>>
    tpu.enqueue_indirect_dma source(%dma_start3A_184 : memref<1000000x1xf32, #tpu.memory_space<hbm>>) target(%dma_start3A_179 : memref<128x1xf32, #tpu.memory_space<vmem>>) offsets(%dma_start3A_181 : memref<128xi32, #tpu.memory_space<vmem>>) semaphore(%arg19 : memref<!tpu.dma_semaphore, #tpu.memory_space<semaphore_mem>>)
    %dma_wait3A_185 = arith.constant 256 : i32
    %dma_wait3A_186 = arith.constant 0 : i32
    %dma_wait3A_187 = tpu.memref_slice %arg16[%dma_wait3A_185, %dma_wait3A_186] : memref<512x1xf32, #tpu.memory_space<vmem>> -> memref<128x1xf32, #tpu.memory_space<vmem>>
    %dma_wait3A_188 = arith.constant 256 : i32
    %dma_wait3A_189 = tpu.memref_slice %arg12[%dma_wait3A_188] : memref<512xi32, #tpu.memory_space<vmem>> -> memref<128xi32, #tpu.memory_space<vmem>>
    %dma_wait3A_190 = arith.constant 0 : i32
    %dma_wait3A_191 = arith.constant 0 : i32
    %dma_wait3A_192 = tpu.memref_slice %arg7[%dma_wait3A_190, %dma_wait3A_191] : memref<1000000x1xf32, #tpu.memory_space<hbm>> -> memref<1000000x1xf32, #tpu.memory_space<hbm>>
    tpu.wait_indirect_dma semaphore(%arg19 : memref<!tpu.dma_semaphore, #tpu.memory_space<semaphore_mem>>) src(%dma_wait3A_192 : memref<1000000x1xf32, #tpu.memory_space<hbm>>) dst(%dma_wait3A_187 : memref<128x1xf32, #tpu.memory_space<vmem>>)
    %dma_start3A_193 = arith.constant 384 : i32
    %dma_start3A_194 = arith.constant 0 : i32
    %dma_start3A_195 = tpu.memref_slice %arg13[%dma_start3A_193, %dma_start3A_194] : memref<512x16xf32, #tpu.memory_space<vmem>> -> memref<128x16xf32, #tpu.memory_space<vmem>>
    %dma_start3A_196 = arith.constant 384 : i32
    %dma_start3A_197 = tpu.memref_slice %arg11[%dma_start3A_196] : memref<512xi32, #tpu.memory_space<vmem>> -> memref<128xi32, #tpu.memory_space<vmem>>
    %dma_start3A_198 = arith.constant 0 : i32
    %dma_start3A_199 = arith.constant 0 : i32
    %dma_start3A_200 = tpu.memref_slice %arg4[%dma_start3A_198, %dma_start3A_199] : memref<1000000x16xf32, #tpu.memory_space<hbm>> -> memref<1000000x16xf32, #tpu.memory_space<hbm>>
    tpu.enqueue_indirect_dma source(%dma_start3A_200 : memref<1000000x16xf32, #tpu.memory_space<hbm>>) target(%dma_start3A_195 : memref<128x16xf32, #tpu.memory_space<vmem>>) offsets(%dma_start3A_197 : memref<128xi32, #tpu.memory_space<vmem>>) semaphore(%arg18 : memref<!tpu.dma_semaphore, #tpu.memory_space<semaphore_mem>>)
    %dma_wait3A_201 = arith.constant 384 : i32
    %dma_wait3A_202 = arith.constant 0 : i32
    %dma_wait3A_203 = tpu.memref_slice %arg13[%dma_wait3A_201, %dma_wait3A_202] : memref<512x16xf32, #tpu.memory_space<vmem>> -> memref<128x16xf32, #tpu.memory_space<vmem>>
    %dma_wait3A_204 = arith.constant 384 : i32
    %dma_wait3A_205 = tpu.memref_slice %arg11[%dma_wait3A_204] : memref<512xi32, #tpu.memory_space<vmem>> -> memref<128xi32, #tpu.memory_space<vmem>>
    %dma_wait3A_206 = arith.constant 0 : i32
    %dma_wait3A_207 = arith.constant 0 : i32
    %dma_wait3A_208 = tpu.memref_slice %arg4[%dma_wait3A_206, %dma_wait3A_207] : memref<1000000x16xf32, #tpu.memory_space<hbm>> -> memref<1000000x16xf32, #tpu.memory_space<hbm>>
    tpu.wait_indirect_dma semaphore(%arg18 : memref<!tpu.dma_semaphore, #tpu.memory_space<semaphore_mem>>) src(%dma_wait3A_208 : memref<1000000x16xf32, #tpu.memory_space<hbm>>) dst(%dma_wait3A_203 : memref<128x16xf32, #tpu.memory_space<vmem>>)
    %dma_start3A_209 = arith.constant 384 : i32
    %dma_start3A_210 = arith.constant 0 : i32
    %dma_start3A_211 = tpu.memref_slice %arg14[%dma_start3A_209, %dma_start3A_210] : memref<512x16xf32, #tpu.memory_space<vmem>> -> memref<128x16xf32, #tpu.memory_space<vmem>>
    %dma_start3A_212 = arith.constant 384 : i32
    %dma_start3A_213 = tpu.memref_slice %arg12[%dma_start3A_212] : memref<512xi32, #tpu.memory_space<vmem>> -> memref<128xi32, #tpu.memory_space<vmem>>
    %dma_start3A_214 = arith.constant 0 : i32
    %dma_start3A_215 = arith.constant 0 : i32
    %dma_start3A_216 = tpu.memref_slice %arg5[%dma_start3A_214, %dma_start3A_215] : memref<1000000x16xf32, #tpu.memory_space<hbm>> -> memref<1000000x16xf32, #tpu.memory_space<hbm>>
    tpu.enqueue_indirect_dma source(%dma_start3A_216 : memref<1000000x16xf32, #tpu.memory_space<hbm>>) target(%dma_start3A_211 : memref<128x16xf32, #tpu.memory_space<vmem>>) offsets(%dma_start3A_213 : memref<128xi32, #tpu.memory_space<vmem>>) semaphore(%arg18 : memref<!tpu.dma_semaphore, #tpu.memory_space<semaphore_mem>>)
    %dma_wait3A_217 = arith.constant 384 : i32
    %dma_wait3A_218 = arith.constant 0 : i32
    %dma_wait3A_219 = tpu.memref_slice %arg14[%dma_wait3A_217, %dma_wait3A_218] : memref<512x16xf32, #tpu.memory_space<vmem>> -> memref<128x16xf32, #tpu.memory_space<vmem>>
    %dma_wait3A_220 = arith.constant 384 : i32
    %dma_wait3A_221 = tpu.memref_slice %arg12[%dma_wait3A_220] : memref<512xi32, #tpu.memory_space<vmem>> -> memref<128xi32, #tpu.memory_space<vmem>>
    %dma_wait3A_222 = arith.constant 0 : i32
    %dma_wait3A_223 = arith.constant 0 : i32
    %dma_wait3A_224 = tpu.memref_slice %arg5[%dma_wait3A_222, %dma_wait3A_223] : memref<1000000x16xf32, #tpu.memory_space<hbm>> -> memref<1000000x16xf32, #tpu.memory_space<hbm>>
    tpu.wait_indirect_dma semaphore(%arg18 : memref<!tpu.dma_semaphore, #tpu.memory_space<semaphore_mem>>) src(%dma_wait3A_224 : memref<1000000x16xf32, #tpu.memory_space<hbm>>) dst(%dma_wait3A_219 : memref<128x16xf32, #tpu.memory_space<vmem>>)
    %dma_start3A_225 = arith.constant 384 : i32
    %dma_start3A_226 = arith.constant 0 : i32
    %dma_start3A_227 = tpu.memref_slice %arg15[%dma_start3A_225, %dma_start3A_226] : memref<512x1xf32, #tpu.memory_space<vmem>> -> memref<128x1xf32, #tpu.memory_space<vmem>>
    %dma_start3A_228 = arith.constant 384 : i32
    %dma_start3A_229 = tpu.memref_slice %arg11[%dma_start3A_228] : memref<512xi32, #tpu.memory_space<vmem>> -> memref<128xi32, #tpu.memory_space<vmem>>
    %dma_start3A_230 = arith.constant 0 : i32
    %dma_start3A_231 = arith.constant 0 : i32
    %dma_start3A_232 = tpu.memref_slice %arg6[%dma_start3A_230, %dma_start3A_231] : memref<1000000x1xf32, #tpu.memory_space<hbm>> -> memref<1000000x1xf32, #tpu.memory_space<hbm>>
    tpu.enqueue_indirect_dma source(%dma_start3A_232 : memref<1000000x1xf32, #tpu.memory_space<hbm>>) target(%dma_start3A_227 : memref<128x1xf32, #tpu.memory_space<vmem>>) offsets(%dma_start3A_229 : memref<128xi32, #tpu.memory_space<vmem>>) semaphore(%arg19 : memref<!tpu.dma_semaphore, #tpu.memory_space<semaphore_mem>>)
    %dma_wait3A_233 = arith.constant 384 : i32
    %dma_wait3A_234 = arith.constant 0 : i32
    %dma_wait3A_235 = tpu.memref_slice %arg15[%dma_wait3A_233, %dma_wait3A_234] : memref<512x1xf32, #tpu.memory_space<vmem>> -> memref<128x1xf32, #tpu.memory_space<vmem>>
    %dma_wait3A_236 = arith.constant 384 : i32
    %dma_wait3A_237 = tpu.memref_slice %arg11[%dma_wait3A_236] : memref<512xi32, #tpu.memory_space<vmem>> -> memref<128xi32, #tpu.memory_space<vmem>>
    %dma_wait3A_238 = arith.constant 0 : i32
    %dma_wait3A_239 = arith.constant 0 : i32
    %dma_wait3A_240 = tpu.memref_slice %arg6[%dma_wait3A_238, %dma_wait3A_239] : memref<1000000x1xf32, #tpu.memory_space<hbm>> -> memref<1000000x1xf32, #tpu.memory_space<hbm>>
    tpu.wait_indirect_dma semaphore(%arg19 : memref<!tpu.dma_semaphore, #tpu.memory_space<semaphore_mem>>) src(%dma_wait3A_240 : memref<1000000x1xf32, #tpu.memory_space<hbm>>) dst(%dma_wait3A_235 : memref<128x1xf32, #tpu.memory_space<vmem>>)
    %dma_start3A_241 = arith.constant 384 : i32
    %dma_start3A_242 = arith.constant 0 : i32
    %dma_start3A_243 = tpu.memref_slice %arg16[%dma_start3A_241, %dma_start3A_242] : memref<512x1xf32, #tpu.memory_space<vmem>> -> memref<128x1xf32, #tpu.memory_space<vmem>>
    %dma_start3A_244 = arith.constant 384 : i32
    %dma_start3A_245 = tpu.memref_slice %arg12[%dma_start3A_244] : memref<512xi32, #tpu.memory_space<vmem>> -> memref<128xi32, #tpu.memory_space<vmem>>
    %dma_start3A_246 = arith.constant 0 : i32
    %dma_start3A_247 = arith.constant 0 : i32
    %dma_start3A_248 = tpu.memref_slice %arg7[%dma_start3A_246, %dma_start3A_247] : memref<1000000x1xf32, #tpu.memory_space<hbm>> -> memref<1000000x1xf32, #tpu.memory_space<hbm>>
    tpu.enqueue_indirect_dma source(%dma_start3A_248 : memref<1000000x1xf32, #tpu.memory_space<hbm>>) target(%dma_start3A_243 : memref<128x1xf32, #tpu.memory_space<vmem>>) offsets(%dma_start3A_245 : memref<128xi32, #tpu.memory_space<vmem>>) semaphore(%arg19 : memref<!tpu.dma_semaphore, #tpu.memory_space<semaphore_mem>>)
    %dma_wait3A_249 = arith.constant 384 : i32
    %dma_wait3A_250 = arith.constant 0 : i32
    %dma_wait3A_251 = tpu.memref_slice %arg16[%dma_wait3A_249, %dma_wait3A_250] : memref<512x1xf32, #tpu.memory_space<vmem>> -> memref<128x1xf32, #tpu.memory_space<vmem>>
    %dma_wait3A_252 = arith.constant 384 : i32
    %dma_wait3A_253 = tpu.memref_slice %arg12[%dma_wait3A_252] : memref<512xi32, #tpu.memory_space<vmem>> -> memref<128xi32, #tpu.memory_space<vmem>>
    %dma_wait3A_254 = arith.constant 0 : i32
    %dma_wait3A_255 = arith.constant 0 : i32
    %dma_wait3A_256 = tpu.memref_slice %arg7[%dma_wait3A_254, %dma_wait3A_255] : memref<1000000x1xf32, #tpu.memory_space<hbm>> -> memref<1000000x1xf32, #tpu.memory_space<hbm>>
    tpu.wait_indirect_dma semaphore(%arg19 : memref<!tpu.dma_semaphore, #tpu.memory_space<semaphore_mem>>) src(%dma_wait3A_256 : memref<1000000x1xf32, #tpu.memory_space<hbm>>) dst(%dma_wait3A_251 : memref<128x1xf32, #tpu.memory_space<vmem>>)
    %broadcast_in_dim3A = arith.constant 0.000000e+00 : f32
    %broadcast_in_dim3A_257 = vector.broadcast %broadcast_in_dim3A : f32 to vector<16xf32>
    %scan3A = arith.constant 0 : i32
    %scan3A_258 = arith.constant 512 : i32
    %scan3A_259 = arith.addi %scan3A, %scan3A_258 : i32
    %scan3A_260 = arith.constant 1 : i32
    %scan3A_261 = scf.for %scan3A_266 = %scan3A to %scan3A_259 step %scan3A_260 iter_args(%scan3A_267 = %broadcast_in_dim3A_257) -> (vector<16xf32>)  : i32 {
      %get3A = arith.index_cast %scan3A_266 : i32 to index
      %get3A_268 = arith.constant 0 : index
      %get3A_269 = tpu.vector_load %arg13[%get3A, %get3A_268] {strides = array<i32>} : memref<512x16xf32, #tpu.memory_space<vmem>>, vector<1x16xf32>,
      %get3A_270 = vector.shape_cast %get3A_269 : vector<1x16xf32> to vector<16xf32>
      %get3A_271 = arith.index_cast %scan3A_266 : i32 to index
      %get3A_272 = arith.constant 0 : index
      %get3A_273 = tpu.vector_load %arg14[%get3A_271, %get3A_272] {strides = array<i32>} : memref<512x16xf32, #tpu.memory_space<vmem>>, vector<1x16xf32>,
      %get3A_274 = vector.shape_cast %get3A_273 : vector<1x16xf32> to vector<16xf32>
      %mul3A_275 = arith.mulf %get3A_270, %get3A_274 : vector<16xf32>
      %add3A_276 = arith.addf %scan3A_267, %mul3A_275 : vector<16xf32>
      scf.yield %add3A_276 : vector<16xf32>
    }
    %scan3A_262 = arith.constant 512 : i32
    %swap3A = arith.constant 0 : index
    %swap3A_263 = tpu.vector_load %arg17[%swap3A] {strides = array<i32>} : memref<16xf32, #tpu.memory_space<vmem>>, vector<16xf32>,
    %swap3A_264 = vector.shape_cast %swap3A_263 : vector<16xf32> to vector<16xf32>
    %swap3A_265 = vector.shape_cast %scan3A_261 : vector<16xf32> to vector<16xf32>
    tpu.vector_store %arg17[%swap3A], %swap3A_265 {strides = array<i32>} : memref<16xf32, #tpu.memory_space<vmem>>, vector<16xf32>,
    "tpu.region"() ({
      %run_scoped3A = tpu.sem_alloc : memref<!tpu.dma_semaphore, #tpu.memory_space<semaphore_mem>>
      %dma_start3A_266 = arith.constant 0 : i32
      %dma_start3A_267 = tpu.memref_slice %arg8[%add3A, %dma_start3A_266] : memref<32x16xf32, #tpu.memory_space<hbm>> -> memref<1x16xf32, #tpu.memory_space<hbm>>
      %dma_start3A_268 = tpu.memref_squeeze %dma_start3A_267 : memref<1x16xf32, #tpu.memory_space<hbm>> -> memref<16xf32, #tpu.memory_space<hbm>>
      %dma_start3A_269 = arith.constant 0 : i32
      %dma_start3A_270 = tpu.memref_slice %arg8[%add3A, %dma_start3A_269] : memref<32x16xf32, #tpu.memory_space<hbm>> -> memref<1x16xf32, #tpu.memory_space<hbm>>
      %dma_start3A_271 = tpu.memref_squeeze %dma_start3A_270 : memref<1x16xf32, #tpu.memory_space<hbm>> -> memref<16xf32, #tpu.memory_space<hbm>>
      tpu.enqueue_dma source(%arg17 : memref<16xf32, #tpu.memory_space<vmem>>) target(%dma_start3A_271 : memref<16xf32, #tpu.memory_space<hbm>>) target_semaphore(%run_scoped3A : memref<!tpu.dma_semaphore, #tpu.memory_space<semaphore_mem>>)
      %dma_wait3A_272 = arith.constant 0 : i32
      %dma_wait3A_273 = tpu.memref_slice %arg8[%add3A, %dma_wait3A_272] : memref<32x16xf32, #tpu.memory_space<hbm>> -> memref<1x16xf32, #tpu.memory_space<hbm>>
      %dma_wait3A_274 = tpu.memref_squeeze %dma_wait3A_273 : memref<1x16xf32, #tpu.memory_space<hbm>> -> memref<16xf32, #tpu.memory_space<hbm>>
      %dma_wait3A_275 = arith.constant 0 : i32
      %dma_wait3A_276 = tpu.memref_slice %arg8[%add3A, %dma_wait3A_275] : memref<32x16xf32, #tpu.memory_space<hbm>> -> memref<1x16xf32, #tpu.memory_space<hbm>>
      %dma_wait3A_277 = tpu.memref_squeeze %dma_wait3A_276 : memref<1x16xf32, #tpu.memory_space<hbm>> -> memref<16xf32, #tpu.memory_space<hbm>>
      tpu.wait_dma2 semaphore(%run_scoped3A : memref<!tpu.dma_semaphore, #tpu.memory_space<semaphore_mem>>) src(%arg17 : memref<16xf32, #tpu.memory_space<vmem>>) dst(%dma_wait3A_277 : memref<16xf32, #tpu.memory_space<hbm>>)
      tpu.yield
    }) : () -> ()
    "tpu.region"() ({
      %run_scoped3A = tpu.sem_alloc : memref<!tpu.dma_semaphore, #tpu.memory_space<semaphore_mem>>
      %dma_start3A_266 = arith.constant 0 : i32
      %dma_start3A_267 = tpu.memref_slice %arg9[%mul3A_2, %dma_start3A_266] : memref<16384x1xf32, #tpu.memory_space<hbm>> -> memref<512x1xf32, #tpu.memory_space<hbm>>
      %dma_start3A_268 = arith.constant 0 : i32
      %dma_start3A_269 = tpu.memref_slice %arg9[%mul3A_2, %dma_start3A_268] : memref<16384x1xf32, #tpu.memory_space<hbm>> -> memref<512x1xf32, #tpu.memory_space<hbm>>
      tpu.enqueue_dma source(%arg15 : memref<512x1xf32, #tpu.memory_space<vmem>>) target(%dma_start3A_269 : memref<512x1xf32, #tpu.memory_space<hbm>>) target_semaphore(%run_scoped3A : memref<!tpu.dma_semaphore, #tpu.memory_space<semaphore_mem>>)
      %dma_wait3A_270 = arith.constant 0 : i32
      %dma_wait3A_271 = tpu.memref_slice %arg9[%mul3A_2, %dma_wait3A_270] : memref<16384x1xf32, #tpu.memory_space<hbm>> -> memref<512x1xf32, #tpu.memory_space<hbm>>
      %dma_wait3A_272 = arith.constant 0 : i32
      %dma_wait3A_273 = tpu.memref_slice %arg9[%mul3A_2, %dma_wait3A_272] : memref<16384x1xf32, #tpu.memory_space<hbm>> -> memref<512x1xf32, #tpu.memory_space<hbm>>
      tpu.wait_dma2 semaphore(%run_scoped3A : memref<!tpu.dma_semaphore, #tpu.memory_space<semaphore_mem>>) src(%arg15 : memref<512x1xf32, #tpu.memory_space<vmem>>) dst(%dma_wait3A_273 : memref<512x1xf32, #tpu.memory_space<hbm>>)
      tpu.yield
    }) : () -> ()
    "tpu.region"() ({
      %run_scoped3A = tpu.sem_alloc : memref<!tpu.dma_semaphore, #tpu.memory_space<semaphore_mem>>
      %dma_start3A_266 = arith.constant 0 : i32
      %dma_start3A_267 = tpu.memref_slice %arg10[%mul3A_2, %dma_start3A_266] : memref<16384x1xf32, #tpu.memory_space<hbm>> -> memref<512x1xf32, #tpu.memory_space<hbm>>
      %dma_start3A_268 = arith.constant 0 : i32
      %dma_start3A_269 = tpu.memref_slice %arg10[%mul3A_2, %dma_start3A_268] : memref<16384x1xf32, #tpu.memory_space<hbm>> -> memref<512x1xf32, #tpu.memory_space<hbm>>
      tpu.enqueue_dma source(%arg16 : memref<512x1xf32, #tpu.memory_space<vmem>>) target(%dma_start3A_269 : memref<512x1xf32, #tpu.memory_space<hbm>>) target_semaphore(%run_scoped3A : memref<!tpu.dma_semaphore, #tpu.memory_space<semaphore_mem>>)
      %dma_wait3A_270 = arith.constant 0 : i32
      %dma_wait3A_271 = tpu.memref_slice %arg10[%mul3A_2, %dma_wait3A_270] : memref<16384x1xf32, #tpu.memory_space<hbm>> -> memref<512x1xf32, #tpu.memory_space<hbm>>
      %dma_wait3A_272 = arith.constant 0 : i32
      %dma_wait3A_273 = tpu.memref_slice %arg10[%mul3A_2, %dma_wait3A_272] : memref<16384x1xf32, #tpu.memory_space<hbm>> -> memref<512x1xf32, #tpu.memory_space<hbm>>
      tpu.wait_dma2 semaphore(%run_scoped3A : memref<!tpu.dma_semaphore, #tpu.memory_space<semaphore_mem>>) src(%arg16 : memref<512x1xf32, #tpu.memory_space<vmem>>) dst(%dma_wait3A_273 : memref<512x1xf32, #tpu.memory_space<hbm>>)
      tpu.yield
    }) : () -> ()
    return
  }
}

</mosaic_0001>

<sc_bundles>
// kernel: _sc_parts.3.cloned.1.call-start
scs
__scs_entry_jumppad:
0x0: {  	(pc) =	sbr.rel $0x88, $3  }
0x1: {  	(tag) =	ssettag $0x0;
	lr =	simm.s32 $0x1  }
0x2: {  	[smem:$0x3F9B] =	sst lr;
	_ =	strace $0xD0000000  }
0x3: {  	_ = 	snop  }
0x4: {  	_ = 	snop  }
0x5: {  	_ = 	snop  }
0x6: {  	_ = 	snop  }
0x7: {  	_ = 	snop  }
__scs_overlays_trampoline_lowered:
0x8: {  	[smem:$0x3FAA] =	sst s0  }
0x9: {  	[smem:$0x3FAB] =	sst s1  }
0xa: {  	[smem:$0x3FAC] =	sst s2  }
0xb: {  	[smem:$0x3FAD] =	sst s3  }
0xc: {  	[smem:$0x3FAE] =	sst s4  }
0xd: {  	[smem:$0x3FAF] =	sst s5  }
0xe: {  	[smem:$0x3FB0] =	sst s6  }
0xf: {  	[smem:$0x3FB1] =	sst s7  }
0x10: {  	[smem:$0x3FB2] =	sst s8  }
0x11: {  	[smem:$0x3FB3] =	sst s9;
	s0 =	simm.s32 @!p0 $0x0  }
0x12: {  	s1 =	sld [smem:$0x3F99];
	s0 =	simm.s32 @p0 $0x1  }
0x13: {  	[smem:$0x3FB4] =	sst s0;
	s0 =	simm.s32 @!p1 $0x0  }
0x14: {  	s2 =	sld [smem:$0x3F98];
	s0 =	simm.s32 @p1 $0x1  }
0x15: {  	[smem:$0x3FB5] =	sst s0;
	s0 =	simm.s32 @!p2 $0x0  }
0x16: {  	s3 =	sld [smem:$0x3FDB];
	s0 =	simm.s32 @p2 $0x1  }
0x17: {  	s4 =	simm.s32 $0x1BF5;
	[smem:$0x3FB7] =	sst s0  }
0x18: {  	s0 =	sld [smem:$0x3F9A];
	_ =	swait.ge [sflag:s4], $0x0  }
0x19: {  	s7 =	sld [smem:$0x3F9B]  }
0x1a: {  	s8 =	sadd.s32 $0xFFFFE003, lr  }
0x1b: {  	s9 =	sadd.s32 $0xFFFFFEF7, lr;
	s5 =	simm.s32 $0xFFFFFFFF;
	p2 =	slt.u32 s8, $0xFFFFF086  }
0x1c: {  	p1 =	slt.u32 s9, $0xF7A;
	s5 =	simm.s32 @!p2 $0x0  }
0x1d: {  	s5 =	simm.s32 @p1 $0x1;
	p0 =	seq.s32 s7, s2  }
0x1e: {  	s7 =	smul.u32 @!p0 $0xF7A, s2;
	p2 =	seq.s32 @!p0 s5, $0x0  }
0x1f: {  	s9 =	smul.u32 $0xF7A, s1;
	s8 =	simm.s32 @!p0 $0x1BF5;
	p2 =	por !p2, p0  }
0x20: {  	[sflag:s8] =	ssyncset.s32 @!p0 $0xFFFFF086;
	s6 =	sadd.s32 @!p0 s3, s7;
	s7 =	simm.s32 @!p0 $0x108  }
0x21: {  	s3 =	sadd.s32 s3, s9;
	s6 =	sadd.s32 @!p0 $0x88, s6;
	s7 =	simm.s32 @p2 $0x1082  }
0x22: {  	[simem:s7], [sflag:s8] =	dma.local @!p0 [hbm:s6], $0xF7A  }
0x23: {  	s9 =	sor.u32 $0xD0000000, s2;
	s6 =	simm.s32 $0x108;
	_ =	swait.ge @!p0 [sflag:s8], $0x0  }
0x24: {  	s3 =	sadd.s32 $0x88, s3;
	s6 =	simm.s32 @!p1 $0x1082;
	[sflag:s4] =	ssyncset.s32 $0xFFFFF086  }
0x25: {  	[simem:s6], [sflag:s4] =	dma.local [hbm:s3], $0xF7A  }
0x26: {  	[smem:$0x3F9B] =	sst s1;
	(tag) =	ssettag s2;
	_ =	strace s9  }
0x27: {  	s1 =	sld [smem:$0x3FAB]  }
0x28: {  	s2 =	sld [smem:$0x3FAC]  }
0x29: {  	s4 =	sld [smem:$0x3FAE]  }
0x2a: {  	p0 =	seq.s32 s5, $0x0;
	s5 =	sld [smem:$0x3FAF]  }
0x2b: {  	s6 =	sld [smem:$0x3FB0]  }
0x2c: {  	s7 =	sld [smem:$0x3FB1]  }
0x2d: {  	s3 =	simm.s32 $0x108;
	s8 =	sld [smem:$0x3FB2]  }
0x2e: {  	s3 =	simm.s32 @!p0 $0x1082;
	s9 =	sld [smem:$0x3FB3]  }
0x2f: {  	lr =	sadd.s32 s0, s3;
	s0 =	sld [smem:$0x3FAA]  }
0x30: {  	s3 =	sld [smem:$0x3FAD]  }
0x31: {  	[smem:$0x3FB6] =	sst s10  }
0x32: {  	s10 =	sld [smem:$0x3FB4];
	_ =	sdelay $0x3  }
0x33: {  	p0 =	seq.s32 s10, $0x1;
	s10 =	sld [smem:$0x3FB6];
	_ =	sdelay $0x3  }
0x34: {  	[smem:$0x3FB6] =	sst s10  }
0x35: {  	s10 =	sld [smem:$0x3FB5];
	_ =	sdelay $0x3  }
0x36: {  	p1 =	seq.s32 s10, $0x1;
	s10 =	sld [smem:$0x3FB6];
	_ =	sdelay $0x3  }
0x37: {  	[smem:$0x3FB6] =	sst s10  }
0x38: {  	s10 =	sld [smem:$0x3FB7]  }
0x39: {  	_ = 	snop;
	(pc) =	sbr.ind lr, $3  }
0x3a: {  	_ = 	snop  }
0x3b: {  	_ = 	snop  }
0x3c: {  	p2 =	seq.s32 s10, $0x1;
	s10 =	sld [smem:$0x3FB6]  }
0x3d: {  	_ =	shalt  }
0x3e: {  	_ =	shalt  }
0x3f: {  	_ =	shalt  }
0x40: {  	_ =	shalt  }
0x41: {  	_ =	shalt  }
0x42: {  	_ =	shalt  }
0x43: {  	_ =	shalt  }
0x44: {  	_ =	shalt  }
0x45: {  	_ =	shalt  }
0x46: {  	_ =	shalt  }
0x47: {  	_ =	shalt  }
0x48: {  	_ =	shalt  }
0x49: {  	_ =	shalt  }
0x4a: {  	_ =	shalt  }
0x4b: {  	_ =	shalt  }
0x4c: {  	_ =	shalt  }
0x4d: {  	_ =	shalt  }
0x4e: {  	_ =	shalt  }
0x4f: {  	_ =	shalt  }
0x50: {  	_ =	shalt  }
0x51: {  	_ =	shalt  }
0x52: {  	_ =	shalt  }
0x53: {  	_ =	shalt  }
0x54: {  	_ =	shalt  }
0x55: {  	_ =	shalt  }
0x56: {  	_ =	shalt  }
0x57: {  	_ =	shalt  }
0x58: {  	_ =	shalt  }
0x59: {  	_ =	shalt  }
0x5a: {  	_ =	shalt  }
0x5b: {  	_ =	shalt  }
0x5c: {  	_ =	shalt  }
0x5d: {  	_ =	shalt  }
0x5e: {  	_ =	shalt  }
0x5f: {  	_ =	shalt  }
0x60: {  	_ =	shalt  }
0x61: {  	_ =	shalt  }
0x62: {  	_ =	shalt  }
0x63: {  	_ =	shalt  }
0x64: {  	_ =	shalt  }
0x65: {  	_ =	shalt  }
0x66: {  	_ =	shalt  }
0x67: {  	_ =	shalt  }
0x68: {  	_ =	shalt  }
0x69: {  	_ =	shalt  }
0x6a: {  	_ =	shalt  }
0x6b: {  	_ =	shalt  }
0x6c: {  	_ =	shalt  }
0x6d: {  	_ =	shalt  }
0x6e: {  	_ =	shalt  }
0x6f: {  	_ =	shalt  }
0x70: {  	_ =	shalt  }
0x71: {  	_ =	shalt  }
0x72: {  	_ =	shalt  }
0x73: {  	_ =	shalt  }
0x74: {  	_ =	shalt  }
0x75: {  	_ =	shalt  }
0x76: {  	_ =	shalt  }
0x77: {  	_ =	shalt  }
0x78: {  	_ =	shalt  }
0x79: {  	_ =	shalt  }
0x7a: {  	_ =	shalt  }
0x7b: {  	_ =	shalt  }
0x7c: {  	_ =	shalt  }
0x7d: {  	_ =	shalt  }
0x7e: {  	_ =	shalt  }
0x7f: {  	_ =	shalt  }
0x80: {  	_ =	shalt  }
0x81: {  	_ =	shalt  }
0x82: {  	_ =	shalt  }
0x83: {  	_ =	shalt  }
0x84: {  	_ =	shalt  }
0x85: {  	_ =	shalt  }
0x86: {  	_ =	shalt  }
0x87: {  	_ =	shalt  }
.Lfunc_end0:
.L_simem_size_0:
called_computation_lowered:
.L_overlay_start_0:
0x88: {  	s2 =	sld [smem:$0x3FD9]  }
0x89: {  	s3 =	sld [smem:$0x3FFE];
	_ =	sdelay $0x1  }
0x8a: {  	s1 =	srdreg.scid  }
0x8b: {  	s0 =	sand.u32 $0x1, s1  }
0x8c: {  	s14 =	sshll.u32 s0, $0xA;
	s2 =	sadd.s32 s3, s2  }
0x8d: {  	s2 =	sadd.s32 s2, s14  }
0x8e: {  	[smem:$0x3FC2] =	sst s2  }
0x8f: {  	_ = 	snop  }
0x90: {  	s2 =	sld [smem:$0x3FD0];
	_ =	sdelay $0x1  }
0x91: {  	s15 =	sld [smem:$0x3FC9]  }
0x92: {  	s5 =	simm.s32 $0xA;
	s6 =	simm.s32 $0x10;
	s4 =	sld [smem:$0x3FC8]  }
0x93: {  	[smem:s6], [sflag:s5] =	dma.local [hbm:s2], $0x1  }
0x94: {  	_ =	swait.eq [sflag:s5], $0x1  }
0x95: {  	[sflag:s5] =	ssyncset.done $0x0  }
0x96: {  	[sflag:s5] =	ssyncadd.s32 $0xFFFFFFFF  }
0x97: {  	s16 =	sld [smem:$0x10];
	(tm) =	ssettm $0x1  }
0x98: {  	s17 =	sld [smem:$0x3FFB];
	_ =	sdelay $0x3  }
0x99: {  	_ =	strace s17  }
0x9a: {  	s5 =	sld [smem:$0x3FFC];
	_ =	sdelay $0x3  }
0x9b: {  	_ =	strace s5  }
0x9c: {  	s5 =	sld [smem:$0x3FFD];
	_ =	sdelay $0x3  }
0x9d: {  	_ =	strace s5  }
0x9e: {  	_ =	strace $0x8FFFFFFF  }
0x9f: {  	s18 =	sld [smem:$0x3FDB];
	_ =	sdelay $0x1  }
0xa0: {  	s19 =	simm.s32 $_scs_section_size  }
0xa1: {  	s7 =	simm.s32 $_size__tile_overlayer_lowered;
	s8 =	simm.s32 $_tile_overlayer_lowered  }
0xa2: {  	s22 =	simm.s32 $0x1BFF;
	s21 =	sshll.u32 s8, $0x1;
	s5 =	sadd.s32 s19, s18  }
0xa3: {  	s9 =	simm.s32 $0x0;
	s20 =	sshll.u32 s7, $0x1;
	s7 =	sadd.s32 s21, s5  }
0xa4: {  	[timem:s9], [sflag:s22] =	dma.local [hbm:s7], s20  }
0xa5: {  	_ =	swait.ge [sflag:s22], s20  }
0xa6: {  	s6 =	ssub.s32 $0x0, s20;
	[sflag:s22] =	ssyncset.done $0x0  }
0xa7: {  	[sflag:s22] =	ssyncadd.s32 s6;
	_ =	sdelay $0x1  }
0xa8: {  	s23 =	simm.s32 $0x1B8B  }
0xa9: {  	_ =	swait.ge [sflag:s23], $0x1  }
0xaa: {  	[sflag:s23] =	ssyncset.done $0x0  }
0xab: {  	s25 =	simm.s32 $0x1B8E;
	s24 =	sld [smem:$0x3FFE];
	[sflag:s23] =	ssyncadd.s32 $0xFFFFFFFF  }
0xac: {  	s26 =	simm.s32 $execute0_lowered;
	[smem:$0x3FD2] =	sst s25  }
0xad: {  	s7 =	sshll.u32 s26, $0x1;
	_ =	strace $0x80000046;
	[dreg:$0x1] =	wrdreg $0xFFFFFFFF  }
0xae: {  	s28 =	simm.s32 $_size_execute0_lowered;
	s5 =	sadd.s32 s5, s7;
	[dreg:$0x0] =	wrdreg $0x0  }
0xaf: {  	s7 =	sshll.u32 s28, $0x1;
	[dreg:$0x2] =	wrdreg s5  }
0xb0: {  	[dreg:$0x3] =	wrdreg s7  }
0xb1: {  	[dreg:$0x4] =	wrdreg $0xC0  }
0xb2: {  	_ =	task [dreg:s9], $0x5FFFF  }
0xb3: {  	[dreg:$0x1] =	wrdreg $0xFFFFFFFF  }
0xb4: {  	[dreg:$0x0] =	wrdreg $0x60  }
0xb5: {  	[dreg:$0x2] =	wrdreg s15  }
0xb6: {  	[dreg:$0x3] =	wrdreg s4  }
0xb7: {  	[dreg:$0x4] =	wrdreg s24  }
0xb8: {  	[dreg:$0x5] =	wrdreg s16  }
0xb9: {  	[dreg:$0x6] =	wrdreg $0x9  }
0xba: {  	_ =	task.clear_ibuf [dreg:s9], $0x7FFFF;
	_ =	strace $0x90000046  }
0xbb: {  	s29 =	simm.s32 $0x9;
	_ =	strace $0x80000048  }
0xbc: {  	_ =	swait.ge [sflag:s29], $0x1  }
0xbd: {  	[sflag:s29] =	ssyncadd.s32 $0xFFFFFFFF  }
0xbe: {  	_ =	strace $0x90000048  }
0xbf: {  	_ =	sfence  }
0xc0: {  	s30 =	sld [smem:$0x0];
	_ =	sdelay $0x2  }
0xc1: {  	s31 =	sshll.u32 s1, $0xD;
	s1 =	sshrl.u32 s1, $0x2  }
0xc2: {  	s3 =	sand.u32 $0x4000, s31;
	s1 =	sadd.s32 s1, s30  }
0xc3: {  	s0 =	sor.u32 s3, s0;
	s1 =	sshll.u32 s1, $0x11  }
0xc4: {  	s0 =	sor.u32 s1, s0  }
0xc5: {  	s0 =	sadd.s32 $0x8F2B, s0  }
0xc6: {  	[sflag:s0] =	ssyncadd.remote.s32 $0x1  }
0xc7: {  	_ =	sfence.sel $0xFFFF  }
0xc8: {  	[dreg:$0x0] =	wrdreg $0xFFFFFFFF;
	(pc) =	sbr.abs _section_cstart, $3  }
0xc9: {  	[dreg:$0x1] =	wrdreg $0xFFFFFFFF  }
0xca: {  	_ =	task.clear_ibuf [dreg:s9], $0x2FFFF;
	_ =	strace $0x9FFFFFFF  }
0xcb: {  	(tm) =	ssettm $0x7FFFFFFF  }
tec
execute0_lowered:
.L_overlay_start_1:
0x0: {  	(tag) =	ssettag $0x1  }
0x1: {  	s0 =	rddreg [dreg:$0x0]  }
0x2: {  	s1 =	rddreg [dreg:$0x1]  }
0x3: {  	s7 =	rddreg [dreg:$0x2]  }
0x4: {  	s9 =	rddreg [dreg:$0x3];
	s2 =	simm.s32 $0x0  }
0x5: {  	s4 =	srdreg.scid;
	s5 =	stileid.u32;
	s14 =	simm.s32 $0x200  }
0x6: {  	s15 =	simm.s32 $0x80;
	s17 =	simm.s32 $0x1;
	s19 =	simm.s32 $0x4400  }
0x7: {  	s20 =	simm.s32 $0x2;
	s21 =	simm.s32 $0x5400;
	s23 =	simm.s32 $0x280  }
0x8: {  	s28 =	simm.s32 $0x100;
	s30 =	simm.s32 $0x300;
	s16 =	simm.s32 $0x180  }
0x9: {  	s18 =	simm.s32 $0x1C00;
	s22 =	simm.s32 $0x380;
	s24 =	simm.s32 $0x3C00  }
0xa: {  	s29 =	simm.s32 $0x6400;
	s31 =	simm.s32 $0x0;
	[smem:$0x7FF] =	sst s2  }
0xb: {  	s3 =	sadd.s32 $0x1313C00, s7;
	s8 =	sand.u32 $0x1, s4;
	s4 =	sadd.s32 $0x112B600, s7  }
0xc: {  	s6 =	sshll.u32 s5, $0x1;
	s5 =	sadd.s32 $0xF4E00, s7;
	_ =	strace $0x80000047  }
0xd: {  	s10 =	sor.u32 s8, s6;
	s6 =	sadd.s32 $0xA00, s7;
	s8 =	ssub.s32 $0x2, s8  }
0xe: {  	s11 =	sshll.u32 s10, $0x9;
	s25 =	sshrl.u32 s8, $0x1;
	s12 =	sshll.u32 s10, $0x6  }
0xf: {  	s26 =	sshll.u32 s10, $0x1;
	s11 =	sadd.s32 s11, s7;
	s13 =	ssub.s32 s8, s25  }
0x10: {  	s7 =	sadd.s32 s0, s12;
	s8 =	sadd.s32 s1, s12;
	s9 =	sadd.s32 s9, s26  }
0x11: {  	s25 =	simm.s32 $0x5000;
	s26 =	simm.s32 $0x6000;
	s10 =	sadd.s32 $0x1E9200, s11  }
0x12: {  	s11 =	sadd.s32 $0x1ED200, s11;
	s12 =	smax.u32 s13, $0x1;
	s13 =	simm.s32 $0x3  }
.LBB2_1:
0x13: {  	[tilespmem:s2], [sflag:$0x3] =	stream.linear.gather [hbm4b:s7+s2], $0x200, $0x38;
	[tilespmem:$0x6410] =	vst v63  }
0x14: {  	_ =	swait.ge [sflag:s13], $0x200  }
0x15: {  	[sflag:s13] =	ssyncset.done $0x0  }
0x16: {  	[sflag:s13] =	ssyncadd.s32 $0xFFFFFE00  }
0x17: {  	[tilespmem:s14], [sflag:$0x3] =	stream.linear.gather [hbm4b:s8+s2], $0x200, $0x38;
	[tilespmem:$0x6410] =	vst v63  }
0x18: {  	_ =	swait.ge [sflag:s13], $0x200  }
0x19: {  	[sflag:s13] =	ssyncset.done $0x0  }
0x1a: {  	s0 =	simm.s32 $0x400;
	[sflag:s13] =	ssyncadd.s32 $0xFFFFFE00  }
0x1b: {  	[tilespmem:s0], [sflag:$0x1] =	stream.indirect.gather [hbm4b:s3+s15], $0x10, s2, s15, $0xb8;
	[tilespmem:$0x6410] =	vst v63  }
0x1c: {  	_ =	swait.ge [sflag:s17], $0x800  }
0x1d: {  	[sflag:s17] =	ssyncset.done $0x0  }
0x1e: {  	s1 =	simm.s32 $0x2400;
	[sflag:s17] =	ssyncadd.s32 $0xFFFFF800  }
0x1f: {  	[tilespmem:s1], [sflag:$0x1] =	stream.indirect.gather [hbm4b:s4+s15], $0x10, s14, s15, $0xb8;
	[tilespmem:$0x6410] =	vst v63  }
0x20: {  	_ =	swait.ge [sflag:s17], $0x800  }
0x21: {  	[sflag:s17] =	ssyncset.done $0x0  }
0x22: {  	[sflag:s17] =	ssyncadd.s32 $0xFFFFF800  }
0x23: {  	[tilespmem:s19], [sflag:$0x2] =	stream.indirect.gather [hbm4b:s5+s15], $0x1, s2, s15, $0xb8;
	[tilespmem:$0x6410] =	vst v63  }
0x24: {  	_ =	swait.ge [sflag:s20], $0x80  }
0x25: {  	[sflag:s20] =	ssyncset.done $0x0  }
0x26: {  	[sflag:s20] =	ssyncadd.s32 $0xFFFFFF80  }
0x27: {  	[tilespmem:s21], [sflag:$0x2] =	stream.indirect.gather [hbm4b:s6+s15], $0x1, s14, s15, $0xb8;
	[tilespmem:$0x6410] =	vst v63  }
0x28: {  	_ =	swait.ge [sflag:s20], $0x80  }
0x29: {  	[sflag:s20] =	ssyncset.done $0x0  }
0x2a: {  	s1 =	simm.s32 $0xC00;
	[sflag:s20] =	ssyncadd.s32 $0xFFFFFF80  }
0x2b: {  	[tilespmem:s1], [sflag:$0x1] =	stream.indirect.gather [hbm4b:s3+s15], $0x10, s15, s15, $0xb8;
	[tilespmem:$0x6410] =	vst v63  }
0x2c: {  	_ =	swait.ge [sflag:s17], $0x800  }
0x2d: {  	[sflag:s17] =	ssyncset.done $0x0  }
0x2e: {  	s1 =	simm.s32 $0x2C00;
	[sflag:s17] =	ssyncadd.s32 $0xFFFFF800  }
0x2f: {  	[tilespmem:s1], [sflag:$0x1] =	stream.indirect.gather [hbm4b:s4+s15], $0x10, s23, s15, $0xb8;
	[tilespmem:$0x6410] =	vst v63  }
0x30: {  	_ =	swait.ge [sflag:s17], $0x800  }
0x31: {  	[sflag:s17] =	ssyncset.done $0x0  }
0x32: {  	s1 =	simm.s32 $0x4800;
	[sflag:s17] =	ssyncadd.s32 $0xFFFFF800  }
0x33: {  	[tilespmem:s1], [sflag:$0x2] =	stream.indirect.gather [hbm4b:s5+s15], $0x1, s15, s15, $0xb8;
	[tilespmem:$0x6410] =	vst v63  }
0x34: {  	_ =	swait.ge [sflag:s20], $0x80  }
0x35: {  	[sflag:s20] =	ssyncset.done $0x0  }
0x36: {  	s1 =	simm.s32 $0x5800;
	[sflag:s20] =	ssyncadd.s32 $0xFFFFFF80  }
0x37: {  	[tilespmem:s1], [sflag:$0x2] =	stream.indirect.gather [hbm4b:s6+s15], $0x1, s23, s15, $0xb8;
	[tilespmem:$0x6410] =	vst v63  }
0x38: {  	_ =	swait.ge [sflag:s20], $0x80  }
0x39: {  	[sflag:s20] =	ssyncset.done $0x0  }
0x3a: {  	s1 =	simm.s32 $0x1400;
	[sflag:s20] =	ssyncadd.s32 $0xFFFFFF80  }
0x3b: {  	[tilespmem:s1], [sflag:$0x1] =	stream.indirect.gather [hbm4b:s3+s15], $0x10, s28, s15, $0xb8;
	[tilespmem:$0x6410] =	vst v63  }
0x3c: {  	_ =	swait.ge [sflag:s17], $0x800  }
0x3d: {  	[sflag:s17] =	ssyncset.done $0x0  }
0x3e: {  	s1 =	simm.s32 $0x3400;
	[sflag:s17] =	ssyncadd.s32 $0xFFFFF800  }
0x3f: {  	[tilespmem:s1], [sflag:$0x1] =	stream.indirect.gather [hbm4b:s4+s15], $0x10, s30, s15, $0xb8;
	[tilespmem:$0x6410] =	vst v63  }
0x40: {  	_ =	swait.ge [sflag:s17], $0x800  }
0x41: {  	[sflag:s17] =	ssyncset.done $0x0  }
0x42: {  	s1 =	simm.s32 $0x4C00;
	[sflag:s17] =	ssyncadd.s32 $0xFFFFF800  }
0x43: {  	[tilespmem:s1], [sflag:$0x2] =	stream.indirect.gather [hbm4b:s5+s15], $0x1, s28, s15, $0xb8;
	[tilespmem:$0x6410] =	vst v63  }
0x44: {  	_ =	swait.ge [sflag:s20], $0x80  }
0x45: {  	[sflag:s20] =	ssyncset.done $0x0  }
0x46: {  	s1 =	simm.s32 $0x5C00;
	[sflag:s20] =	ssyncadd.s32 $0xFFFFFF80  }
0x47: {  	[tilespmem:s1], [sflag:$0x2] =	stream.indirect.gather [hbm4b:s6+s15], $0x1, s30, s15, $0xb8;
	[tilespmem:$0x6410] =	vst v63  }
0x48: {  	_ =	swait.ge [sflag:s20], $0x80  }
0x49: {  	[sflag:s20] =	ssyncset.done $0x0  }
0x4a: {  	[sflag:s20] =	ssyncadd.s32 $0xFFFFFF80  }
0x4b: {  	[tilespmem:s18], [sflag:$0x1] =	stream.indirect.gather [hbm4b:s3+s15], $0x10, s16, s15, $0xb8;
	[tilespmem:$0x6410] =	vst v63  }
0x4c: {  	_ =	swait.ge [sflag:s17], $0x800  }
0x4d: {  	[sflag:s17] =	ssyncset.done $0x0  }
0x4e: {  	[sflag:s17] =	ssyncadd.s32 $0xFFFFF800  }
0x4f: {  	[tilespmem:s24], [sflag:$0x1] =	stream.indirect.gather [hbm4b:s4+s15], $0x10, s22, s15, $0xb8;
	[tilespmem:$0x6410] =	vst v63  }
0x50: {  	_ =	swait.ge [sflag:s17], $0x800  }
0x51: {  	[sflag:s17] =	ssyncset.done $0x0  }
0x52: {  	[sflag:s17] =	ssyncadd.s32 $0xFFFFF800  }
0x53: {  	[tilespmem:s25], [sflag:$0x2] =	stream.indirect.gather [hbm4b:s5+s15], $0x1, s16, s15, $0xb8;
	[tilespmem:$0x6410] =	vst v63  }
0x54: {  	_ =	swait.ge [sflag:s20], $0x80  }
0x55: {  	[sflag:s20] =	ssyncset.done $0x0  }
0x56: {  	[sflag:s20] =	ssyncadd.s32 $0xFFFFFF80  }
0x57: {  	[tilespmem:s26], [sflag:$0x2] =	stream.indirect.gather [hbm4b:s6+s15], $0x1, s22, s15, $0xb8;
	[tilespmem:$0x6410] =	vst v63  }
0x58: {  	_ =	swait.ge [sflag:s20], $0x80  }
0x59: {  	[sflag:s20] =	ssyncset.done $0x0  }
0x5a: {  	s1 =	simm.s32 $0x0;
	[sflag:s20] =	ssyncadd.s32 $0xFFFFFF80  }
0x5b: {  	v1 =	vld [tilespmem:s1+$0x400]  }
0x5c: {  	v0 =	vimm.f32 $0.0e+00;
	s0 =	simm.s32 $0x40;
	v2 =	vld [tilespmem:s1+$0x2400]  }
.LBB2_2:
0x5d: {  	_ = 	snop  }
0x5e: {  	p0 =	sne.s32 s0, $0x7FC0  }
.Ltmp0:
0x5f: {  	_ = 	snop;
	(pc) =	sbr.rel @p0 .LBB2_2-.Ltmp0, $4  }
0x60: {  	_ = 	snop  }
0x61: {  	s1 =	sshra.s32 s0, $0x2;
	v3 =	vmul.f32 v2, v1  }
0x62: {  	v1 =	vld [tilespmem:s1+$0x400]  }
0x63: {  	s0 =	sadd.s32 $0x40, s0;
	v2 =	vld [tilespmem:s1+$0x2400];
	v0 =	vadd.f32 v3, v0  }
0x64: {  	_ =	sdelay $0x3  }
0x65: {  	v1 =	vmul.f32 v2, v1;
	_ =	sdelay $0x1  }
0x66: {  	v0 =	vadd.f32 v1, v0;
	_ =	sdelay $0x1  }
0x67: {  	[tilespmem:$0x6400] =	vst v0  }
0x68: {  	[hbm4b:s9+s2] =	stream.linear.scatter [tilespmem:s29], [sflag:$0x3], $0x10, $0x38;
	[tilespmem:$0x6410] =	vst v63  }
0x69: {  	_ =	swait.ge [sflag:s13], $0x10  }
0x6a: {  	[sflag:s13] =	ssyncset.done $0x0  }
0x6b: {  	[sflag:s13] =	ssyncadd.s32 $0xFFFFFFF0  }
0x6c: {  	[hbm4b:s10+s2] =	stream.linear.scatter [tilespmem:s19], [sflag:$0x3], $0x1000, $0x38;
	[tilespmem:$0x6410] =	vst v63  }
0x6d: {  	s31 =	sadd.s32 $0x1, s31;
	_ =	swait.ge [sflag:s13], $0x1000  }
0x6e: {  	p0 =	sne.s32 s31, s12;
	[sflag:s13] =	ssyncset.done $0x0  }
.Ltmp1:
0x6f: {  	[sflag:s13] =	ssyncadd.s32 $0xFFFFF000;
	(pc) =	sbr.rel @p0 .LBB2_1-.Ltmp1, $4  }
0x70: {  	[hbm4b:s11+s2] =	stream.linear.scatter [tilespmem:s21], [sflag:$0x3], $0x1000, $0x38;
	[tilespmem:$0x6410] =	vst v63  }
0x71: {  	_ =	swait.ge [sflag:s13], $0x1000  }
0x72: {  	[sflag:s13] =	ssyncset.done $0x0  }
0x73: {  	[sflag:s13] =	ssyncadd.s32 $0xFFFFF000  }
0x74: {  	_ =	sfence.sel $0x180000  }
0x75: {  	[bflag:$0x0] =	sbarrier.arrive $0xFFFF  }
0x76: {  	_ =	strace $0x90000047  }
0x77: {  	s0 =	stileid.u32;
	[bflag:$0x2] =	sbarrier.arrive $0xFFFF  }
0x78: {  	p0 =	sne.s32 s0, $0x0;
	s0 =	rddreg [dreg:$0x4]  }
0x79: {  	s0 =	sadd.s32 @!p0 $0x100000, s0  }
0x7a: {  	[sflag:s0] =	ssyncadd.tile.s32 @!p0 $0x1;
	_ =	shalt  }
.Lfunc_end2:
_tile_overlayer_lowered:
.L_overlay_start_2:
0x7b: {  	(tag) =	ssettag $0x2  }
0x7c: {  	s0 =	rddreg [dreg:$0x0];
	s2 =	stileid.u32  }
0x7d: {  	s1 =	rddreg [dreg:$0x1];
	p0 =	sne.s32 s2, $0x0  }
0x7e: {  	s3 =	rddreg [dreg:$0x2];
	[bflag:$0x3] =	sbarrier.arrive $0xFFFF;
	s2 =	simm.s32 @!p0 $0x1C03  }
0x7f: {  	[timem:s3], [sflag:s2] =	dma.local @!p0 [hbm:s0], s1  }
0x80: {  	s0 =	simm.s32 @!p0 $0x3  }
0x81: {  	_ =	swait.ge @!p0 [sflag:s0], s1  }
0x82: {  	s1 =	ssub.s32 @!p0 $0x0, s1;
	[sflag:s0] =	ssyncset.done @!p0 $0x0  }
0x83: {  	[sflag:s0] =	ssyncadd.s32 @!p0 s1  }
0x84: {  	[bflag:$0x3] =	sbarrier.arrive $0xFFFF  }
0x85: {  	_ =	shalt  }

</sc_bundles>
